<compile_context>
chip_gen: v7x
topology: tpu7x:2x2x1
jax: 0.10.2.dev20260603
libtpu: 0.0.44.dev20260713+nightly
codegen_flags: <defaults>
</compile_context>

<pallas_src>
import functools

import jax
import jax.numpy as jnp
import numpy as np
from jax import lax
from jax.experimental import pallas as pl
from jax.experimental.pallas import tpu as pltpu
from jax.experimental.pallas import tpu_sc as plsc

_NC = 8192
_CD = 32
_NT = 8192
_BT = 256
_TW = 2048
_SC_CORES = 2
_SC_SUB = 16
_NW = _SC_CORES * _SC_SUB
_BPW = _NT // _NW
_CW = 128



def _argmin_body(z_ref, emb_ref, z2_ref, e2_ref, codes_ref, ebf_ref):
    i = pl.program_id(0)

    @pl.when(i == 0)
    def _prep():
        ebf_ref[...] = emb_ref[...].astype(jnp.bfloat16)

    z = z_ref[...]
    z2 = z2_ref[...]
    m = jax.lax.dot_general(z.astype(jnp.bfloat16), ebf_ref[...],
                            (((1,), (1,)), ((), ())),
                            preferred_element_type=jnp.float32)
    dist = (z2 - 2.0 * m) + e2_ref[...]

    acc_v = jnp.full((_BT,), jnp.inf, jnp.bfloat16)
    acc_i = jnp.zeros((_BT,), jnp.int32)
    for t in range(_NC // _TW):
        dt = dist[:, t * _TW:(t + 1) * _TW]
        mt = jnp.min(dt, axis=1)
        it = jnp.argmin(dt, axis=1).astype(jnp.int32) + t * _TW
        win = mt < acc_v.astype(jnp.float32)
        acc_i = jnp.where(win, it, acc_i)
        acc_v = jnp.where(win, mt, acc_v.astype(jnp.float32)).astype(jnp.bfloat16)
    codes_ref[...] = acc_i[:, None]


def _run_argmin(flat_z, embed):
    nb = _NT // _BT
    z2 = jnp.sum(flat_z ** 2, axis=1, keepdims=True)
    e2 = jnp.sum(embed ** 2, axis=1, keepdims=True).T
    return pl.pallas_call(
        _argmin_body,
        grid=(nb,),
        in_specs=[
            pl.BlockSpec((_BT, _CD), lambda i: (i, 0)),
            pl.BlockSpec((_NC, _CD), lambda i: (0, 0)),
            pl.BlockSpec((_BT, 1), lambda i: (i, 0)),
            pl.BlockSpec((1, _NC), lambda i: (0, 0)),
        ],
        out_specs=pl.BlockSpec((_BT, 1), lambda i: (i, 0)),
        out_shape=jax.ShapeDtypeStruct((_NT, 1), jnp.int32),
        scratch_shapes=[
            pltpu.VMEM((_NC, _CD), jnp.bfloat16),
        ],
    )(flat_z, embed, z2, e2)



def _sc_body(codes2_hbm, emb_hbm, zeros_hbm, ones_hbm,
             zq_hbm, cnt_hbm, idx_v, rows_v, ones_v, shared, sem):
    c = lax.axis_index("c")
    s = lax.axis_index("s")
    wid = s * _SC_CORES + c
    base = wid * _BPW

    pltpu.sync_copy(zeros_hbm.at[pl.ds(s * 512, 512)],
                    shared.at[pl.ds(s * 512, 512)])
    pltpu.sync_copy(codes2_hbm.at[pl.ds(wid * 2, 2)], idx_v)
    pltpu.sync_copy(ones_hbm, ones_v)
    plsc.subcore_barrier()

    for j in range(2):
        pltpu.async_copy(emb_hbm.at[idx_v.at[j]],
                         rows_v.at[pl.ds(j * 128, 128)], sem).wait()
        pltpu.sync_copy(ones_v, shared.at[idx_v.at[j]], add=True)
    pltpu.sync_copy(rows_v, zq_hbm.at[pl.ds(base, _BPW)])

    plsc.subcore_barrier()
    pltpu.sync_copy(shared.at[pl.ds(s * 512, 512)],
                    cnt_hbm.at[pl.ds(c * _NC + s * 512, 512)])


@functools.partial(
    pl.kernel,
    out_type=[
        jax.ShapeDtypeStruct((_NT, 128), jnp.float32),
        jax.ShapeDtypeStruct((2 * _NC, _CW), jnp.float32),
    ],
    mesh=plsc.VectorSubcoreMesh(core_axis_name="c", subcore_axis_name="s",
                                num_cores=_SC_CORES),
    scratch_types=[
        pltpu.VMEM((2, 128), jnp.int32),
        pltpu.VMEM((_BPW, 128), jnp.float32),
        pltpu.VMEM((128, _CW), jnp.float32),
        pltpu.VMEM_SHARED((_NC, _CW), jnp.float32),
        pltpu.SemaphoreType.DMA,
    ],
)
def _sc_gather_count(codes2_hbm, emb_hbm, zeros_hbm, ones_hbm,
                     zq_hbm, cnt_hbm, idx_v, rows_v, ones_v, shared, sem):
    _sc_body(codes2_hbm, emb_hbm, zeros_hbm, ones_hbm,
             zq_hbm, cnt_hbm, idx_v, rows_v, ones_v, shared, sem)



def _fin_body(z_ref, zq_ref, cnt_ref, out_ref, loss_ref, ent_ref,
              nent_ref, avg_ref):
    z = z_ref[...]
    q = zq_ref[:, 0:_CD]
    out_ref[...] = z + (q - z)
    loss_ref[...] = jnp.sum((z - q) ** 2, keepdims=True) * (1.0 / (_NT * _CD))
    counts = cnt_ref[0:_NC, 0:1] + cnt_ref[_NC:2 * _NC, 0:1]
    p = counts * (1.0 / _NT)
    neg_ent = jnp.sum(p * jnp.log(p + 1e-10), keepdims=True)
    ent_ref[...] = -neg_ent
    nent_ref[...] = -neg_ent / np.log(_NC)
    avg_ref[...] = p


def _run_finalize(flat_z, zq_rows, cnt):
    f32 = jnp.float32
    return pl.pallas_call(
        _fin_body,
        out_shape=[
            jax.ShapeDtypeStruct((_NT, _CD), f32),
            jax.ShapeDtypeStruct((1, 1), f32),
            jax.ShapeDtypeStruct((1, 1), f32),
            jax.ShapeDtypeStruct((1, 1), f32),
            jax.ShapeDtypeStruct((_NC, 1), f32),
        ],
    )(flat_z, zq_rows, cnt)


def kernel(z, embed):
    orig_shape = z.shape
    flat_z = z.reshape(-1, _CD)
    codes_col = _run_argmin(flat_z, embed)
    codes2 = codes_col.reshape(_NW * 2, 128)
    emb_pad = jnp.pad(embed, ((0, 0), (0, 128 - _CD)))
    zeros16 = jnp.zeros((_NC, _CW), jnp.float32)
    ones16 = jnp.ones((128, _CW), jnp.float32)
    zq_rows, cnt = _sc_gather_count(codes2, emb_pad, zeros16, ones16)
    zq_ste, loss, ent, nent, avg = _run_finalize(flat_z, zq_rows, cnt)
    return (zq_ste.reshape(orig_shape), codes_col.reshape(orig_shape[:-1]),
            loss.reshape(()), ent.reshape(()), nent.reshape(()),
            avg.reshape(_NC))

# --- scband reference (transcript-rebuilt; emitter-appended) ---
"""Pipeline reference for scband-vector-quantizer-with-entropy-3496103379398 (READ-ONLY COPY).

The authoritative reference and input builder live on the scoring server;
editing this copy changes nothing except your own understanding.
"""

import jax, jax.numpy as jnp
import numpy as np

NUM_CODES = 8192
CODE_DIM = 32

def setup_inputs(seed: int = 0) -> dict:
    key = jax.random.key(seed)
    k1, k2 = jax.random.split(key)
    z = jax.random.normal(k1, (8, 1024, CODE_DIM), dtype=jnp.float32)
    embed = jax.random.normal(k2, (NUM_CODES, CODE_DIM), dtype=jnp.float32)
    return {"z": z, "embed": embed}

def reference(z, embed):
    num_codes = embed.shape[0]
    code_dim = embed.shape[1]
    orig_shape = z.shape
    flat_z = z.reshape(-1, code_dim)
    # squared euclidean distances: ||z||^2 - 2 z.e^T + ||e||^2
    dist = (jnp.sum(flat_z ** 2, axis=1, keepdims=True)
            - 2.0 * flat_z @ embed.T
            + jnp.sum(embed ** 2, axis=1, keepdims=True).T)
    codes_flat = jnp.argmin(dist, axis=1)
    z_q_flat = jnp.take(embed, codes_flat, axis=0)
    # commitment loss (z_q detached)
    commitment_loss = jnp.mean((flat_z - jax.lax.stop_gradient(z_q_flat)) ** 2)
    # straight-through estimator
    z_q_flat = flat_z + jax.lax.stop_gradient(z_q_flat - flat_z)
    # entropy stats (no_grad in torch)
    counts = jnp.bincount(codes_flat, length=num_codes).astype(jnp.float32)
    avg_probs = jax.lax.stop_gradient(counts / flat_z.shape[0])
    code_entropy = -jnp.sum(avg_probs * jnp.log(avg_probs + 1e-10))
    max_entropy = np.log(num_codes)
    normalized_entropy = code_entropy / max_entropy
    z_q = z_q_flat.reshape(orig_shape)
    codes = codes_flat.reshape(orig_shape[:-1])
    return (z_q, codes, commitment_loss, code_entropy, normalized_entropy, avg_probs)

if __name__ == "__main__":
    import jax
    _d = setup_inputs()
    print(jax.jit(kernel)(*tuple(_d.values())))

</pallas_src>

<mosaic_0001>
#map = affine_map<(d0, d1) -> (0, 0)>
module attributes {stable_mosaic.version = 14 : i64} {
  func.func @_sc_gather_count(%arg0: i32, %arg1: i32, %arg2: memref<64x128xi32, #tpu.memory_space<hbm>>, %arg3: memref<8192x128xf32, #tpu.memory_space<hbm>>, %arg4: memref<8192x128xf32, #tpu.memory_space<hbm>>, %arg5: memref<128x128xf32, #tpu.memory_space<hbm>>, %arg6: memref<8192x128xf32, #tpu.memory_space<hbm>>, %arg7: memref<16384x128xf32, #tpu.memory_space<hbm>>, %arg8: memref<2x128xi32, #tpu.memory_space<vmem>>, %arg9: memref<256x128xf32, #tpu.memory_space<vmem>>, %arg10: memref<128x128xf32, #tpu.memory_space<vmem>>, %arg11: memref<8192x128xf32, #tpu.memory_space<vmem_shared>>, %arg12: memref<!tpu.dma_semaphore, #tpu.memory_space<semaphore_mem>>) attributes {dimension_semantics = [#tpu.dimension_semantics<core_parallel>, #tpu.dimension_semantics<subcore_parallel>], iteration_bounds = array<i64: 2, 16>, scalar_prefetch = 0 : i64, scratch_operands = 5 : i64, tpu.core_type = #tpu.core_type<sc_vector_subcore>, window_params = [{transform_indices = #map}, {transform_indices = #map}, {transform_indices = #map}, {transform_indices = #map}, {transform_indices = #map}, {transform_indices = #map}]} {
    %mul3A = arith.constant 2 : i32
    %mul3A_0 = arith.muli %arg1, %mul3A : i32
    %add3A = arith.addi %mul3A_0, %arg0 : i32
    %mul3A_1 = arith.constant 256 : i32
    %mul3A_2 = arith.muli %add3A, %mul3A_1 : i32
    %mul3A_3 = arith.constant 512 : i32
    %mul3A_4 = arith.muli %arg1, %mul3A_3 : i32
    %mul3A_5 = arith.constant 512 : i32
    %mul3A_6 = arith.muli %arg1, %mul3A_5 : i32
    "tpu.region"() ({
      %run_scoped3A_56 = tpu.sem_alloc : memref<!tpu.dma_semaphore, #tpu.memory_space<semaphore_mem>>
      %dma_start3A_57 = arith.constant 0 : i32
      %dma_start3A_58 = tpu.memref_slice %arg11[%mul3A_6, %dma_start3A_57] : memref<8192x128xf32, #tpu.memory_space<vmem_shared>> -> memref<512x128xf32, #tpu.memory_space<vmem_shared>>
      %dma_start3A_59 = arith.constant 0 : i32
      %dma_start3A_60 = tpu.memref_slice %arg4[%mul3A_4, %dma_start3A_59] : memref<8192x128xf32, #tpu.memory_space<hbm>> -> memref<512x128xf32, #tpu.memory_space<hbm>>
      tpu.enqueue_dma source(%dma_start3A_60 : memref<512x128xf32, #tpu.memory_space<hbm>>) target(%dma_start3A_58 : memref<512x128xf32, #tpu.memory_space<vmem_shared>>) target_semaphore(%run_scoped3A_56 : memref<!tpu.dma_semaphore, #tpu.memory_space<semaphore_mem>>)
      %dma_wait3A_61 = arith.constant 0 : i32
      %dma_wait3A_62 = tpu.memref_slice %arg11[%mul3A_6, %dma_wait3A_61] : memref<8192x128xf32, #tpu.memory_space<vmem_shared>> -> memref<512x128xf32, #tpu.memory_space<vmem_shared>>
      %dma_wait3A_63 = arith.constant 0 : i32
      %dma_wait3A_64 = tpu.memref_slice %arg4[%mul3A_4, %dma_wait3A_63] : memref<8192x128xf32, #tpu.memory_space<hbm>> -> memref<512x128xf32, #tpu.memory_space<hbm>>
      tpu.wait_dma2 semaphore(%run_scoped3A_56 : memref<!tpu.dma_semaphore, #tpu.memory_space<semaphore_mem>>) src(%dma_wait3A_64 : memref<512x128xf32, #tpu.memory_space<hbm>>) dst(%dma_wait3A_62 : memref<512x128xf32, #tpu.memory_space<vmem_shared>>)
      tpu.yield
    }) : () -> ()
    %mul3A_7 = arith.constant 2 : i32
    %mul3A_8 = arith.muli %add3A, %mul3A_7 : i32
    "tpu.region"() ({
      %run_scoped3A_56 = tpu.sem_alloc : memref<!tpu.dma_semaphore, #tpu.memory_space<semaphore_mem>>
      %dma_start3A_57 = arith.constant 0 : i32
      %dma_start3A_58 = tpu.memref_slice %arg2[%mul3A_8, %dma_start3A_57] : memref<64x128xi32, #tpu.memory_space<hbm>> -> memref<2x128xi32, #tpu.memory_space<hbm>>
      %dma_start3A_59 = arith.constant 0 : i32
      %dma_start3A_60 = tpu.memref_slice %arg2[%mul3A_8, %dma_start3A_59] : memref<64x128xi32, #tpu.memory_space<hbm>> -> memref<2x128xi32, #tpu.memory_space<hbm>>
      tpu.enqueue_dma source(%dma_start3A_60 : memref<2x128xi32, #tpu.memory_space<hbm>>) target(%arg8 : memref<2x128xi32, #tpu.memory_space<vmem>>) target_semaphore(%run_scoped3A_56 : memref<!tpu.dma_semaphore, #tpu.memory_space<semaphore_mem>>)
      %dma_wait3A_61 = arith.constant 0 : i32
      %dma_wait3A_62 = tpu.memref_slice %arg2[%mul3A_8, %dma_wait3A_61] : memref<64x128xi32, #tpu.memory_space<hbm>> -> memref<2x128xi32, #tpu.memory_space<hbm>>
      %dma_wait3A_63 = arith.constant 0 : i32
      %dma_wait3A_64 = tpu.memref_slice %arg2[%mul3A_8, %dma_wait3A_63] : memref<64x128xi32, #tpu.memory_space<hbm>> -> memref<2x128xi32, #tpu.memory_space<hbm>>
      tpu.wait_dma2 semaphore(%run_scoped3A_56 : memref<!tpu.dma_semaphore, #tpu.memory_space<semaphore_mem>>) src(%dma_wait3A_64 : memref<2x128xi32, #tpu.memory_space<hbm>>) dst(%arg8 : memref<2x128xi32, #tpu.memory_space<vmem>>)
      tpu.yield
    }) : () -> ()
    "tpu.region"() ({
      %run_scoped3A_56 = tpu.sem_alloc : memref<!tpu.dma_semaphore, #tpu.memory_space<semaphore_mem>>
      tpu.enqueue_dma source(%arg5 : memref<128x128xf32, #tpu.memory_space<hbm>>) target(%arg10 : memref<128x128xf32, #tpu.memory_space<vmem>>) target_semaphore(%run_scoped3A_56 : memref<!tpu.dma_semaphore, #tpu.memory_space<semaphore_mem>>)
      tpu.wait_dma2 semaphore(%run_scoped3A_56 : memref<!tpu.dma_semaphore, #tpu.memory_space<semaphore_mem>>) src(%arg5 : memref<128x128xf32, #tpu.memory_space<hbm>>) dst(%arg10 : memref<128x128xf32, #tpu.memory_space<vmem>>)
      tpu.yield
    }) : () -> ()
    %barrier3A = arith.constant 0 : index
    tpu.barrier barrier_id(%barrier3A)
    %dma_start3A = arith.constant 0 : i32
    %dma_start3A_9 = arith.constant 0 : i32
    %dma_start3A_10 = arith.constant 0 : i32
    %dma_start3A_11 = tpu.memref_slice %arg9[%dma_start3A_9, %dma_start3A_10] : memref<256x128xf32, #tpu.memory_space<vmem>> -> memref<128x128xf32, #tpu.memory_space<vmem>>
    %dma_start3A_12 = arith.constant 0 : i32
    %dma_start3A_13 = tpu.memref_slice %arg8[%dma_start3A, %dma_start3A_12] : memref<2x128xi32, #tpu.memory_space<vmem>> -> memref<1x128xi32, #tpu.memory_space<vmem>>
    %dma_start3A_14 = tpu.memref_squeeze %dma_start3A_13 : memref<1x128xi32, #tpu.memory_space<vmem>> -> memref<128xi32, #tpu.memory_space<vmem>>
    %dma_start3A_15 = arith.constant 0 : i32
    %dma_start3A_16 = arith.constant 0 : i32
    %dma_start3A_17 = tpu.memref_slice %arg3[%dma_start3A_15, %dma_start3A_16] : memref<8192x128xf32, #tpu.memory_space<hbm>> -> memref<8192x128xf32, #tpu.memory_space<hbm>>
    tpu.enqueue_indirect_dma source(%dma_start3A_17 : memref<8192x128xf32, #tpu.memory_space<hbm>>) target(%dma_start3A_11 : memref<128x128xf32, #tpu.memory_space<vmem>>) offsets(%dma_start3A_14 : memref<128xi32, #tpu.memory_space<vmem>>) semaphore(%arg12 : memref<!tpu.dma_semaphore, #tpu.memory_space<semaphore_mem>>)
    %dma_wait3A = arith.constant 0 : i32
    %dma_wait3A_18 = arith.constant 0 : i32
    %dma_wait3A_19 = arith.constant 0 : i32
    %dma_wait3A_20 = tpu.memref_slice %arg9[%dma_wait3A_18, %dma_wait3A_19] : memref<256x128xf32, #tpu.memory_space<vmem>> -> memref<128x128xf32, #tpu.memory_space<vmem>>
    %dma_wait3A_21 = arith.constant 0 : i32
    %dma_wait3A_22 = tpu.memref_slice %arg8[%dma_wait3A, %dma_wait3A_21] : memref<2x128xi32, #tpu.memory_space<vmem>> -> memref<1x128xi32, #tpu.memory_space<vmem>>
    %dma_wait3A_23 = tpu.memref_squeeze %dma_wait3A_22 : memref<1x128xi32, #tpu.memory_space<vmem>> -> memref<128xi32, #tpu.memory_space<vmem>>
    %dma_wait3A_24 = arith.constant 0 : i32
    %dma_wait3A_25 = arith.constant 0 : i32
    %dma_wait3A_26 = tpu.memref_slice %arg3[%dma_wait3A_24, %dma_wait3A_25] : memref<8192x128xf32, #tpu.memory_space<hbm>> -> memref<8192x128xf32, #tpu.memory_space<hbm>>
    tpu.wait_indirect_dma semaphore(%arg12 : memref<!tpu.dma_semaphore, #tpu.memory_space<semaphore_mem>>) src(%dma_wait3A_26 : memref<8192x128xf32, #tpu.memory_space<hbm>>) dst(%dma_wait3A_20 : memref<128x128xf32, #tpu.memory_space<vmem>>)
    %run_scoped3A = arith.constant 0 : i32
    "tpu.region"() ({
      %run_scoped3A_56 = tpu.sem_alloc : memref<!tpu.dma_semaphore, #tpu.memory_space<semaphore_mem>>
      %dma_start3A_57 = arith.constant 0 : i32
      %dma_start3A_58 = tpu.memref_slice %arg8[%run_scoped3A, %dma_start3A_57] : memref<2x128xi32, #tpu.memory_space<vmem>> -> memref<1x128xi32, #tpu.memory_space<vmem>>
      %dma_start3A_59 = tpu.memref_squeeze %dma_start3A_58 : memref<1x128xi32, #tpu.memory_space<vmem>> -> memref<128xi32, #tpu.memory_space<vmem>>
      %dma_start3A_60 = arith.constant 0 : i32
      %dma_start3A_61 = arith.constant 0 : i32
      %dma_start3A_62 = tpu.memref_slice %arg11[%dma_start3A_60, %dma_start3A_61] : memref<8192x128xf32, #tpu.memory_space<vmem_shared>> -> memref<8192x128xf32, #tpu.memory_space<vmem_shared>>
      tpu.enqueue_indirect_dma source(%arg10 : memref<128x128xf32, #tpu.memory_space<vmem>>) target(%dma_start3A_62 : memref<8192x128xf32, #tpu.memory_space<vmem_shared>>) offsets(%dma_start3A_59 : memref<128xi32, #tpu.memory_space<vmem>>) semaphore(%run_scoped3A_56 : memref<!tpu.dma_semaphore, #tpu.memory_space<semaphore_mem>>) {add = true}
      %dma_wait3A_63 = arith.constant 0 : i32
      %dma_wait3A_64 = tpu.memref_slice %arg8[%run_scoped3A, %dma_wait3A_63] : memref<2x128xi32, #tpu.memory_space<vmem>> -> memref<1x128xi32, #tpu.memory_space<vmem>>
      %dma_wait3A_65 = tpu.memref_squeeze %dma_wait3A_64 : memref<1x128xi32, #tpu.memory_space<vmem>> -> memref<128xi32, #tpu.memory_space<vmem>>
      %dma_wait3A_66 = arith.constant 0 : i32
      %dma_wait3A_67 = arith.constant 0 : i32
      %dma_wait3A_68 = tpu.memref_slice %arg11[%dma_wait3A_66, %dma_wait3A_67] : memref<8192x128xf32, #tpu.memory_space<vmem_shared>> -> memref<8192x128xf32, #tpu.memory_space<vmem_shared>>
      tpu.wait_indirect_dma semaphore(%run_scoped3A_56 : memref<!tpu.dma_semaphore, #tpu.memory_space<semaphore_mem>>) src(%arg10 : memref<128x128xf32, #tpu.memory_space<vmem>>) dst(%dma_wait3A_68 : memref<8192x128xf32, #tpu.memory_space<vmem_shared>>)
      tpu.yield
    }) : () -> ()
    %dma_start3A_27 = arith.constant 1 : i32
    %dma_start3A_28 = arith.constant 128 : i32
    %dma_start3A_29 = arith.constant 0 : i32
    %dma_start3A_30 = tpu.memref_slice %arg9[%dma_start3A_28, %dma_start3A_29] : memref<256x128xf32, #tpu.memory_space<vmem>> -> memref<128x128xf32, #tpu.memory_space<vmem>>
    %dma_start3A_31 = arith.constant 0 : i32
    %dma_start3A_32 = tpu.memref_slice %arg8[%dma_start3A_27, %dma_start3A_31] : memref<2x128xi32, #tpu.memory_space<vmem>> -> memref<1x128xi32, #tpu.memory_space<vmem>>
    %dma_start3A_33 = tpu.memref_squeeze %dma_start3A_32 : memref<1x128xi32, #tpu.memory_space<vmem>> -> memref<128xi32, #tpu.memory_space<vmem>>
    %dma_start3A_34 = arith.constant 0 : i32
    %dma_start3A_35 = arith.constant 0 : i32
    %dma_start3A_36 = tpu.memref_slice %arg3[%dma_start3A_34, %dma_start3A_35] : memref<8192x128xf32, #tpu.memory_space<hbm>> -> memref<8192x128xf32, #tpu.memory_space<hbm>>
    tpu.enqueue_indirect_dma source(%dma_start3A_36 : memref<8192x128xf32, #tpu.memory_space<hbm>>) target(%dma_start3A_30 : memref<128x128xf32, #tpu.memory_space<vmem>>) offsets(%dma_start3A_33 : memref<128xi32, #tpu.memory_space<vmem>>) semaphore(%arg12 : memref<!tpu.dma_semaphore, #tpu.memory_space<semaphore_mem>>)
    %dma_wait3A_37 = arith.constant 1 : i32
    %dma_wait3A_38 = arith.constant 128 : i32
    %dma_wait3A_39 = arith.constant 0 : i32
    %dma_wait3A_40 = tpu.memref_slice %arg9[%dma_wait3A_38, %dma_wait3A_39] : memref<256x128xf32, #tpu.memory_space<vmem>> -> memref<128x128xf32, #tpu.memory_space<vmem>>
    %dma_wait3A_41 = arith.constant 0 : i32
    %dma_wait3A_42 = tpu.memref_slice %arg8[%dma_wait3A_37, %dma_wait3A_41] : memref<2x128xi32, #tpu.memory_space<vmem>> -> memref<1x128xi32, #tpu.memory_space<vmem>>
    %dma_wait3A_43 = tpu.memref_squeeze %dma_wait3A_42 : memref<1x128xi32, #tpu.memory_space<vmem>> -> memref<128xi32, #tpu.memory_space<vmem>>
    %dma_wait3A_44 = arith.constant 0 : i32
    %dma_wait3A_45 = arith.constant 0 : i32
    %dma_wait3A_46 = tpu.memref_slice %arg3[%dma_wait3A_44, %dma_wait3A_45] : memref<8192x128xf32, #tpu.memory_space<hbm>> -> memref<8192x128xf32, #tpu.memory_space<hbm>>
    tpu.wait_indirect_dma semaphore(%arg12 : memref<!tpu.dma_semaphore, #tpu.memory_space<semaphore_mem>>) src(%dma_wait3A_46 : memref<8192x128xf32, #tpu.memory_space<hbm>>) dst(%dma_wait3A_40 : memref<128x128xf32, #tpu.memory_space<vmem>>)
    %run_scoped3A_47 = arith.constant 1 : i32
    "tpu.region"() ({
      %run_scoped3A_56 = tpu.sem_alloc : memref<!tpu.dma_semaphore, #tpu.memory_space<semaphore_mem>>
      %dma_start3A_57 = arith.constant 0 : i32
      %dma_start3A_58 = tpu.memref_slice %arg8[%run_scoped3A_47, %dma_start3A_57] : memref<2x128xi32, #tpu.memory_space<vmem>> -> memref<1x128xi32, #tpu.memory_space<vmem>>
      %dma_start3A_59 = tpu.memref_squeeze %dma_start3A_58 : memref<1x128xi32, #tpu.memory_space<vmem>> -> memref<128xi32, #tpu.memory_space<vmem>>
      %dma_start3A_60 = arith.constant 0 : i32
      %dma_start3A_61 = arith.constant 0 : i32
      %dma_start3A_62 = tpu.memref_slice %arg11[%dma_start3A_60, %dma_start3A_61] : memref<8192x128xf32, #tpu.memory_space<vmem_shared>> -> memref<8192x128xf32, #tpu.memory_space<vmem_shared>>
      tpu.enqueue_indirect_dma source(%arg10 : memref<128x128xf32, #tpu.memory_space<vmem>>) target(%dma_start3A_62 : memref<8192x128xf32, #tpu.memory_space<vmem_shared>>) offsets(%dma_start3A_59 : memref<128xi32, #tpu.memory_space<vmem>>) semaphore(%run_scoped3A_56 : memref<!tpu.dma_semaphore, #tpu.memory_space<semaphore_mem>>) {add = true}
      %dma_wait3A_63 = arith.constant 0 : i32
      %dma_wait3A_64 = tpu.memref_slice %arg8[%run_scoped3A_47, %dma_wait3A_63] : memref<2x128xi32, #tpu.memory_space<vmem>> -> memref<1x128xi32, #tpu.memory_space<vmem>>
      %dma_wait3A_65 = tpu.memref_squeeze %dma_wait3A_64 : memref<1x128xi32, #tpu.memory_space<vmem>> -> memref<128xi32, #tpu.memory_space<vmem>>
      %dma_wait3A_66 = arith.constant 0 : i32
      %dma_wait3A_67 = arith.constant 0 : i32
      %dma_wait3A_68 = tpu.memref_slice %arg11[%dma_wait3A_66, %dma_wait3A_67] : memref<8192x128xf32, #tpu.memory_space<vmem_shared>> -> memref<8192x128xf32, #tpu.memory_space<vmem_shared>>
      tpu.wait_indirect_dma semaphore(%run_scoped3A_56 : memref<!tpu.dma_semaphore, #tpu.memory_space<semaphore_mem>>) src(%arg10 : memref<128x128xf32, #tpu.memory_space<vmem>>) dst(%dma_wait3A_68 : memref<8192x128xf32, #tpu.memory_space<vmem_shared>>)
      tpu.yield
    }) : () -> ()
    "tpu.region"() ({
      %run_scoped3A_56 = tpu.sem_alloc : memref<!tpu.dma_semaphore, #tpu.memory_space<semaphore_mem>>
      %dma_start3A_57 = arith.constant 0 : i32
      %dma_start3A_58 = tpu.memref_slice %arg6[%mul3A_2, %dma_start3A_57] : memref<8192x128xf32, #tpu.memory_space<hbm>> -> memref<256x128xf32, #tpu.memory_space<hbm>>
      %dma_start3A_59 = arith.constant 0 : i32
      %dma_start3A_60 = tpu.memref_slice %arg6[%mul3A_2, %dma_start3A_59] : memref<8192x128xf32, #tpu.memory_space<hbm>> -> memref<256x128xf32, #tpu.memory_space<hbm>>
      tpu.enqueue_dma source(%arg9 : memref<256x128xf32, #tpu.memory_space<vmem>>) target(%dma_start3A_60 : memref<256x128xf32, #tpu.memory_space<hbm>>) target_semaphore(%run_scoped3A_56 : memref<!tpu.dma_semaphore, #tpu.memory_space<semaphore_mem>>)
      %dma_wait3A_61 = arith.constant 0 : i32
      %dma_wait3A_62 = tpu.memref_slice %arg6[%mul3A_2, %dma_wait3A_61] : memref<8192x128xf32, #tpu.memory_space<hbm>> -> memref<256x128xf32, #tpu.memory_space<hbm>>
      %dma_wait3A_63 = arith.constant 0 : i32
      %dma_wait3A_64 = tpu.memref_slice %arg6[%mul3A_2, %dma_wait3A_63] : memref<8192x128xf32, #tpu.memory_space<hbm>> -> memref<256x128xf32, #tpu.memory_space<hbm>>
      tpu.wait_dma2 semaphore(%run_scoped3A_56 : memref<!tpu.dma_semaphore, #tpu.memory_space<semaphore_mem>>) src(%arg9 : memref<256x128xf32, #tpu.memory_space<vmem>>) dst(%dma_wait3A_64 : memref<256x128xf32, #tpu.memory_space<hbm>>)
      tpu.yield
    }) : () -> ()
    %barrier3A_48 = arith.constant 0 : index
    tpu.barrier barrier_id(%barrier3A_48)
    %mul3A_49 = arith.constant 512 : i32
    %mul3A_50 = arith.muli %arg1, %mul3A_49 : i32
    %mul3A_51 = arith.constant 8192 : i32
    %mul3A_52 = arith.muli %arg0, %mul3A_51 : i32
    %mul3A_53 = arith.constant 512 : i32
    %mul3A_54 = arith.muli %arg1, %mul3A_53 : i32
    %add3A_55 = arith.addi %mul3A_52, %mul3A_54 : i32
    "tpu.region"() ({
      %run_scoped3A_56 = tpu.sem_alloc : memref<!tpu.dma_semaphore, #tpu.memory_space<semaphore_mem>>
      %dma_start3A_57 = arith.constant 0 : i32
      %dma_start3A_58 = tpu.memref_slice %arg7[%add3A_55, %dma_start3A_57] : memref<16384x128xf32, #tpu.memory_space<hbm>> -> memref<512x128xf32, #tpu.memory_space<hbm>>
      %dma_start3A_59 = arith.constant 0 : i32
      %dma_start3A_60 = tpu.memref_slice %arg11[%mul3A_50, %dma_start3A_59] : memref<8192x128xf32, #tpu.memory_space<vmem_shared>> -> memref<512x128xf32, #tpu.memory_space<vmem_shared>>
      tpu.enqueue_dma source(%dma_start3A_60 : memref<512x128xf32, #tpu.memory_space<vmem_shared>>) target(%dma_start3A_58 : memref<512x128xf32, #tpu.memory_space<hbm>>) target_semaphore(%run_scoped3A_56 : memref<!tpu.dma_semaphore, #tpu.memory_space<semaphore_mem>>)
      %dma_wait3A_61 = arith.constant 0 : i32
      %dma_wait3A_62 = tpu.memref_slice %arg7[%add3A_55, %dma_wait3A_61] : memref<16384x128xf32, #tpu.memory_space<hbm>> -> memref<512x128xf32, #tpu.memory_space<hbm>>
      %dma_wait3A_63 = arith.constant 0 : i32
      %dma_wait3A_64 = tpu.memref_slice %arg11[%mul3A_50, %dma_wait3A_63] : memref<8192x128xf32, #tpu.memory_space<vmem_shared>> -> memref<512x128xf32, #tpu.memory_space<vmem_shared>>
      tpu.wait_dma2 semaphore(%run_scoped3A_56 : memref<!tpu.dma_semaphore, #tpu.memory_space<semaphore_mem>>) src(%dma_wait3A_64 : memref<512x128xf32, #tpu.memory_space<vmem_shared>>) dst(%dma_wait3A_62 : memref<512x128xf32, #tpu.memory_space<hbm>>)
      tpu.yield
    }) : () -> ()
    return
  }
}

module attributes {stable_mosaic.version = 14 : i64} {
  func.func @_argmin_body(%arg0: i32, %arg1: memref<256x32xf32, #tpu.memory_space<vmem>>, %arg2: memref<8192x32xf32, #tpu.memory_space<vmem>>, %arg3: memref<256x1xf32, #tpu.memory_space<vmem>>, %arg4: memref<1x8192xf32, #tpu.memory_space<vmem>>, %arg5: memref<256x1xi32, #tpu.memory_space<vmem>>, %arg6: memref<8192x32xbf16, #tpu.memory_space<vmem>>) attributes {dimension_semantics = [#tpu.dimension_semantics<arbitrary>], iteration_bounds = array<i64: 32>, scalar_prefetch = 0 : i64, scratch_operands = 1 : i64, tpu.core_type = #tpu.core_type<tc>, window_params = [{transform_indices = @transform_0, window_bounds = array<i64: 256, 32>}, {pipeline_mode = #tpu.pipeline_mode<synchronous>, transform_indices = @transform_1, window_bounds = array<i64: 8192, 32>}, {transform_indices = @transform_2, window_bounds = array<i64: 256, 1>}, {pipeline_mode = #tpu.pipeline_mode<synchronous>, transform_indices = @transform_3, window_bounds = array<i64: 1, 8192>}, {transform_indices = @transform_4, window_bounds = array<i64: 256, 1>}]} {
    %eq3A = arith.constant 0 : i32
    %eq3A_0 = arith.cmpi eq, %arg0, %eq3A : i32
    %convert_element_type3A = arith.extui %eq3A_0 : i1 to i32
    %cond3A = arith.constant 0 : i32
    %cond3A_1 = arith.cmpi ne, %convert_element_type3A, %cond3A : i32
    scf.if %cond3A_1 {
      %get3A_69 = arith.constant 0 : index
      %get3A_70 = arith.constant 0 : index
      %get3A_71 = vector.load %arg2[%get3A_69, %get3A_70] : memref<8192x32xf32, #tpu.memory_space<vmem>>, vector<8192x32xf32>
      %convert_element_type3A_72 = arith.truncf %get3A_71 : vector<8192x32xf32> to vector<8192x32xbf16>
      %swap3A_73 = arith.constant 0 : index
      %swap3A_74 = arith.constant 0 : index
      %swap3A_75 = vector.load %arg6[%swap3A_73, %swap3A_74] : memref<8192x32xbf16, #tpu.memory_space<vmem>>, vector<8192x32xbf16>
      tpu.vector_store %arg6[%swap3A_73, %swap3A_74], %convert_element_type3A_72 {strides = array<i32>} : memref<8192x32xbf16, #tpu.memory_space<vmem>>, vector<8192x32xbf16>,
    } else {
    }
    %get3A = arith.constant 0 : index
    %get3A_2 = arith.constant 0 : index
    %get3A_3 = vector.load %arg1[%get3A, %get3A_2] : memref<256x32xf32, #tpu.memory_space<vmem>>, vector<256x32xf32>
    %get3A_4 = arith.constant 0 : index
    %get3A_5 = arith.constant 0 : index
    %get3A_6 = vector.load %arg3[%get3A_4, %get3A_5] : memref<256x1xf32, #tpu.memory_space<vmem>>, vector<256x1xf32>
    %convert_element_type3A_7 = arith.truncf %get3A_3 : vector<256x32xf32> to vector<256x32xbf16>
    %get3A_8 = arith.constant 0 : index
    %get3A_9 = arith.constant 0 : index
    %get3A_10 = vector.load %arg6[%get3A_8, %get3A_9] : memref<8192x32xbf16, #tpu.memory_space<vmem>>, vector<8192x32xbf16>
    %dot_general3A = arith.constant dense<0.000000e+00> : vector<256x8192xf32>
    %dot_general3A_11 = tpu.matmul %convert_element_type3A_7, %get3A_10, %dot_general3A {dimension_numbers = #tpu.dot_dimension_numbers<[1], [1], [0], [0], [0, 0, 1, 0], [], []>, transpose_lhs_hint = false} : vector<256x32xbf16>, vector<8192x32xbf16>, vector<256x8192xf32> -> vector<256x8192xf32>
    %mul3A = arith.constant 2.000000e+00 : f32
    %mul3A_12 = vector.broadcast %mul3A : f32 to vector<256x8192xf32>
    %mul3A_13 = arith.mulf %mul3A_12, %dot_general3A_11 : vector<256x8192xf32>
    %sub3A = vector.broadcast %get3A_6 : vector<256x1xf32> to vector<256x8192xf32>
    %sub3A_14 = arith.subf %sub3A, %mul3A_13 : vector<256x8192xf32>
    %get3A_15 = arith.constant 0 : index
    %get3A_16 = arith.constant 0 : index
    %get3A_17 = vector.load %arg4[%get3A_15, %get3A_16] : memref<1x8192xf32, #tpu.memory_space<vmem>>, vector<1x8192xf32>
    %add3A = vector.broadcast %get3A_17 : vector<1x8192xf32> to vector<256x8192xf32>
    %add3A_18 = arith.addf %sub3A_14, %add3A : vector<256x8192xf32>
    %broadcast_in_dim3A = arith.constant 0x7F80 : bf16
    %broadcast_in_dim3A_19 = vector.broadcast %broadcast_in_dim3A : bf16 to vector<256xbf16>
    %broadcast_in_dim3A_20 = arith.constant 0 : i32
    %broadcast_in_dim3A_21 = vector.broadcast %broadcast_in_dim3A_20 : i32 to vector<256xi32>
    %slice3A = vector.extract_strided_slice %add3A_18 {offsets = [0, 0], sizes = [256, 2048], strides = [1, 1]} : vector<256x8192xf32> to vector<256x2048xf32>
    %reduce_min3A = arith.constant dense<0x7F800000> : vector<256xf32>
    %reduce_min3A_22 = vector.multi_reduction <minimumf>, %slice3A, %reduce_min3A [1] : vector<256x2048xf32> to vector<256xf32>
    %argmin3A = tpu.reduce_index %slice3A {axis = 1 : i32, kind = #tpu.reduction_kind<arg_min>} : vector<256x2048xf32> -> vector<256xi32>
    %add3A_23 = arith.constant 0 : i32
    %add3A_24 = vector.broadcast %add3A_23 : i32 to vector<256xi32>
    %add3A_25 = arith.addi %argmin3A, %add3A_24 : vector<256xi32>
    %convert_element_type3A_26 = arith.extf %broadcast_in_dim3A_19 : vector<256xbf16> to vector<256xf32>
    %lt3A = arith.cmpf olt, %reduce_min3A_22, %convert_element_type3A_26 : vector<256xf32>
    %select_n3A = arith.select %lt3A, %add3A_25, %broadcast_in_dim3A_21 : vector<256xi1>, vector<256xi32>
    %convert_element_type3A_27 = arith.extf %broadcast_in_dim3A_19 : vector<256xbf16> to vector<256xf32>
    %select_n3A_28 = arith.select %lt3A, %reduce_min3A_22, %convert_element_type3A_27 : vector<256xi1>, vector<256xf32>
    %convert_element_type3A_29 = arith.truncf %select_n3A_28 : vector<256xf32> to vector<256xbf16>
    %slice3A_30 = vector.extract_strided_slice %add3A_18 {offsets = [0, 2048], sizes = [256, 2048], strides = [1, 1]} : vector<256x8192xf32> to vector<256x2048xf32>
    %reduce_min3A_31 = arith.constant dense<0x7F800000> : vector<256xf32>
    %reduce_min3A_32 = vector.multi_reduction <minimumf>, %slice3A_30, %reduce_min3A_31 [1] : vector<256x2048xf32> to vector<256xf32>
    %argmin3A_33 = tpu.reduce_index %slice3A_30 {axis = 1 : i32, kind = #tpu.reduction_kind<arg_min>} : vector<256x2048xf32> -> vector<256xi32>
    %add3A_34 = arith.constant 2048 : i32
    %add3A_35 = vector.broadcast %add3A_34 : i32 to vector<256xi32>
    %add3A_36 = arith.addi %argmin3A_33, %add3A_35 : vector<256xi32>
    %convert_element_type3A_37 = arith.extf %convert_element_type3A_29 : vector<256xbf16> to vector<256xf32>
    %lt3A_38 = arith.cmpf olt, %reduce_min3A_32, %convert_element_type3A_37 : vector<256xf32>
    %select_n3A_39 = arith.select %lt3A_38, %add3A_36, %select_n3A : vector<256xi1>, vector<256xi32>
    %convert_element_type3A_40 = arith.extf %convert_element_type3A_29 : vector<256xbf16> to vector<256xf32>
    %select_n3A_41 = arith.select %lt3A_38, %reduce_min3A_32, %convert_element_type3A_40 : vector<256xi1>, vector<256xf32>
    %convert_element_type3A_42 = arith.truncf %select_n3A_41 : vector<256xf32> to vector<256xbf16>
    %slice3A_43 = vector.extract_strided_slice %add3A_18 {offsets = [0, 4096], sizes = [256, 2048], strides = [1, 1]} : vector<256x8192xf32> to vector<256x2048xf32>
    %reduce_min3A_44 = arith.constant dense<0x7F800000> : vector<256xf32>
    %reduce_min3A_45 = vector.multi_reduction <minimumf>, %slice3A_43, %reduce_min3A_44 [1] : vector<256x2048xf32> to vector<256xf32>
    %argmin3A_46 = tpu.reduce_index %slice3A_43 {axis = 1 : i32, kind = #tpu.reduction_kind<arg_min>} : vector<256x2048xf32> -> vector<256xi32>
    %add3A_47 = arith.constant 4096 : i32
    %add3A_48 = vector.broadcast %add3A_47 : i32 to vector<256xi32>
    %add3A_49 = arith.addi %argmin3A_46, %add3A_48 : vector<256xi32>
    %convert_element_type3A_50 = arith.extf %convert_element_type3A_42 : vector<256xbf16> to vector<256xf32>
    %lt3A_51 = arith.cmpf olt, %reduce_min3A_45, %convert_element_type3A_50 : vector<256xf32>
    %select_n3A_52 = arith.select %lt3A_51, %add3A_49, %select_n3A_39 : vector<256xi1>, vector<256xi32>
    %convert_element_type3A_53 = arith.extf %convert_element_type3A_42 : vector<256xbf16> to vector<256xf32>
    %select_n3A_54 = arith.select %lt3A_51, %reduce_min3A_45, %convert_element_type3A_53 : vector<256xi1>, vector<256xf32>
    %convert_element_type3A_55 = arith.truncf %select_n3A_54 : vector<256xf32> to vector<256xbf16>
    %slice3A_56 = vector.extract_strided_slice %add3A_18 {offsets = [0, 6144], sizes = [256, 2048], strides = [1, 1]} : vector<256x8192xf32> to vector<256x2048xf32>
    %reduce_min3A_57 = arith.constant dense<0x7F800000> : vector<256xf32>
    %reduce_min3A_58 = vector.multi_reduction <minimumf>, %slice3A_56, %reduce_min3A_57 [1] : vector<256x2048xf32> to vector<256xf32>
    %argmin3A_59 = tpu.reduce_index %slice3A_56 {axis = 1 : i32, kind = #tpu.reduction_kind<arg_min>} : vector<256x2048xf32> -> vector<256xi32>
    %add3A_60 = arith.constant 6144 : i32
    %add3A_61 = vector.broadcast %add3A_60 : i32 to vector<256xi32>
    %add3A_62 = arith.addi %argmin3A_59, %add3A_61 : vector<256xi32>
    %convert_element_type3A_63 = arith.extf %convert_element_type3A_55 : vector<256xbf16> to vector<256xf32>
    %lt3A_64 = arith.cmpf olt, %reduce_min3A_58, %convert_element_type3A_63 : vector<256xf32>
    %select_n3A_65 = arith.select %lt3A_64, %add3A_62, %select_n3A_52 : vector<256xi1>, vector<256xi32>
    %broadcast_in_dim3A_66 = vector.shape_cast %select_n3A_65 : vector<256xi32> to vector<256x1xi32>
    %swap3A = arith.constant 0 : index
    %swap3A_67 = arith.constant 0 : index
    %swap3A_68 = vector.load %arg5[%swap3A, %swap3A_67] : memref<256x1xi32, #tpu.memory_space<vmem>>, vector<256x1xi32>
    tpu.vector_store %arg5[%swap3A, %swap3A_67], %broadcast_in_dim3A_66 {strides = array<i32>} : memref<256x1xi32, #tpu.memory_space<vmem>>, vector<256x1xi32>,
    return
  }
  func.func @transform_0(%arg0: i32) -> (i32, i32) {
    %c0_i32 = arith.constant 0 : i32
    %c0_i32_0 = arith.constant 0 : i32
    return %arg0, %c0_i32 : i32, i32
  }
  func.func @transform_1(%arg0: i32) -> (i32, i32) {
    %c0_i32 = arith.constant 0 : i32
    %c0_i32_0 = arith.constant 0 : i32
    %c0_i32_1 = arith.constant 0 : i32
    return %c0_i32, %c0_i32_0 : i32, i32
  }
  func.func @transform_2(%arg0: i32) -> (i32, i32) {
    %c0_i32 = arith.constant 0 : i32
    %c0_i32_0 = arith.constant 0 : i32
    return %arg0, %c0_i32 : i32, i32
  }
  func.func @transform_3(%arg0: i32) -> (i32, i32) {
    %c0_i32 = arith.constant 0 : i32
    %c0_i32_0 = arith.constant 0 : i32
    %c0_i32_1 = arith.constant 0 : i32
    return %c0_i32, %c0_i32_0 : i32, i32
  }
  func.func @transform_4(%arg0: i32) -> (i32, i32) {
    %c0_i32 = arith.constant 0 : i32
    %c0_i32_0 = arith.constant 0 : i32
    return %arg0, %c0_i32 : i32, i32
  }
}

module attributes {stable_mosaic.version = 14 : i64} {
  func.func @_fin_body(%arg0: memref<8192x32xf32, #tpu.memory_space<vmem>>, %arg1: memref<8192x128xf32, #tpu.memory_space<vmem>>, %arg2: memref<16384x128xf32, #tpu.memory_space<vmem>>, %arg3: memref<8192x32xf32, #tpu.memory_space<vmem>>, %arg4: memref<1x1xf32, #tpu.memory_space<vmem>>, %arg5: memref<1x1xf32, #tpu.memory_space<vmem>>, %arg6: memref<1x1xf32, #tpu.memory_space<vmem>>, %arg7: memref<8192x1xf32, #tpu.memory_space<vmem>>) attributes {dimension_semantics = [], scalar_prefetch = 0 : i64, scratch_operands = 0 : i64, tpu.core_type = #tpu.core_type<tc>} {
    %get3A = arith.constant 0 : index
    %get3A_0 = arith.constant 0 : index
    %get3A_1 = vector.load %arg0[%get3A, %get3A_0] : memref<8192x32xf32, #tpu.memory_space<vmem>>, vector<8192x32xf32>
    %get3A_2 = arith.constant 0 : index
    %get3A_3 = arith.constant 0 : index
    %get3A_4 = vector.load %arg1[%get3A_2, %get3A_3] : memref<8192x128xf32, #tpu.memory_space<vmem>>, vector<8192x32xf32>
    %sub3A = arith.subf %get3A_4, %get3A_1 : vector<8192x32xf32>
    %add3A = arith.addf %get3A_1, %sub3A : vector<8192x32xf32>
    %swap3A = arith.constant 0 : index
    %swap3A_5 = arith.constant 0 : index
    %swap3A_6 = vector.load %arg3[%swap3A, %swap3A_5] : memref<8192x32xf32, #tpu.memory_space<vmem>>, vector<8192x32xf32>
    tpu.vector_store %arg3[%swap3A, %swap3A_5], %add3A {strides = array<i32>} : memref<8192x32xf32, #tpu.memory_space<vmem>>, vector<8192x32xf32>,
    %sub3A_7 = arith.subf %get3A_1, %get3A_4 : vector<8192x32xf32>
    %integer_pow3A = arith.mulf %sub3A_7, %sub3A_7 : vector<8192x32xf32>
    %reduce_sum3A = vector.shape_cast %integer_pow3A : vector<8192x32xf32> to vector<1x8192x32xf32>
    %reduce_sum3A_8 = arith.constant dense<0.000000e+00> : vector<1xf32>
    %reduce_sum3A_9 = vector.multi_reduction <add>, %reduce_sum3A, %reduce_sum3A_8 [1, 2] : vector<1x8192x32xf32> to vector<1xf32>
    %reduce_sum3A_10 = vector.shape_cast %reduce_sum3A_9 : vector<1xf32> to vector<1x1x1xf32>
    %reduce_sum3A_11 = vector.extract %reduce_sum3A_10[0, 0, 0] : f32 from vector<1x1x1xf32>
    %broadcast_in_dim3A = vector.broadcast %reduce_sum3A_11 : f32 to vector<1x1xf32>
    %mul3A = arith.constant 3.81469727E-6 : f32
    %mul3A_12 = vector.broadcast %mul3A : f32 to vector<1x1xf32>
    %mul3A_13 = arith.mulf %broadcast_in_dim3A, %mul3A_12 : vector<1x1xf32>
    %swap3A_14 = arith.constant 0 : index
    %swap3A_15 = arith.constant 0 : index
    %swap3A_16 = vector.load %arg4[%swap3A_14, %swap3A_15] : memref<1x1xf32, #tpu.memory_space<vmem>>, vector<1x1xf32>
    tpu.vector_store %arg4[%swap3A_14, %swap3A_15], %mul3A_13 {strides = array<i32>} : memref<1x1xf32, #tpu.memory_space<vmem>>, vector<1x1xf32>,
    %get3A_17 = arith.constant 0 : index
    %get3A_18 = arith.constant 0 : index
    %get3A_19 = vector.load %arg2[%get3A_17, %get3A_18] : memref<16384x128xf32, #tpu.memory_space<vmem>>, vector<8192x1xf32>
    %get3A_20 = arith.constant 8192 : index
    %get3A_21 = arith.constant 0 : index
    %get3A_22 = vector.load %arg2[%get3A_20, %get3A_21] : memref<16384x128xf32, #tpu.memory_space<vmem>>, vector<8192x1xf32>
    %add3A_23 = arith.addf %get3A_19, %get3A_22 : vector<8192x1xf32>
    %mul3A_24 = arith.constant 1.22070313E-4 : f32
    %mul3A_25 = vector.broadcast %mul3A_24 : f32 to vector<8192x1xf32>
    %mul3A_26 = arith.mulf %add3A_23, %mul3A_25 : vector<8192x1xf32>
    %add3A_27 = arith.constant 1.000000e-10 : f32
    %add3A_28 = vector.broadcast %add3A_27 : f32 to vector<8192x1xf32>
    %add3A_29 = arith.addf %mul3A_26, %add3A_28 : vector<8192x1xf32>
    %log3A = math.log %add3A_29 : vector<8192x1xf32>
    %mul3A_30 = arith.mulf %mul3A_26, %log3A : vector<8192x1xf32>
    %reduce_sum3A_31 = vector.shape_cast %mul3A_30 : vector<8192x1xf32> to vector<1x8192x1xf32>
    %reduce_sum3A_32 = arith.constant dense<0.000000e+00> : vector<1xf32>
    %reduce_sum3A_33 = vector.multi_reduction <add>, %reduce_sum3A_31, %reduce_sum3A_32 [1, 2] : vector<1x8192x1xf32> to vector<1xf32>
    %reduce_sum3A_34 = vector.shape_cast %reduce_sum3A_33 : vector<1xf32> to vector<1x1x1xf32>
    %reduce_sum3A_35 = vector.extract %reduce_sum3A_34[0, 0, 0] : f32 from vector<1x1x1xf32>
    %broadcast_in_dim3A_36 = vector.broadcast %reduce_sum3A_35 : f32 to vector<1x1xf32>
    %neg3A = arith.constant 0.000000e+00 : f32
    %neg3A_37 = vector.broadcast %neg3A : f32 to vector<1x1xf32>
    %neg3A_38 = arith.subf %neg3A_37, %broadcast_in_dim3A_36 : vector<1x1xf32>
    %swap3A_39 = arith.constant 0 : index
    %swap3A_40 = arith.constant 0 : index
    %swap3A_41 = vector.load %arg5[%swap3A_39, %swap3A_40] : memref<1x1xf32, #tpu.memory_space<vmem>>, vector<1x1xf32>
    tpu.vector_store %arg5[%swap3A_39, %swap3A_40], %neg3A_38 {strides = array<i32>} : memref<1x1xf32, #tpu.memory_space<vmem>>, vector<1x1xf32>,
    %neg3A_42 = arith.constant 0.000000e+00 : f32
    %neg3A_43 = vector.broadcast %neg3A_42 : f32 to vector<1x1xf32>
    %neg3A_44 = arith.subf %neg3A_43, %broadcast_in_dim3A_36 : vector<1x1xf32>
    %div3A = arith.constant 9.01091289 : f32
    %div3A_45 = vector.broadcast %div3A : f32 to vector<1x1xf32>
    %div3A_46 = arith.divf %neg3A_44, %div3A_45 : vector<1x1xf32>
    %swap3A_47 = arith.constant 0 : index
    %swap3A_48 = arith.constant 0 : index
    %swap3A_49 = vector.load %arg6[%swap3A_47, %swap3A_48] : memref<1x1xf32, #tpu.memory_space<vmem>>, vector<1x1xf32>
    tpu.vector_store %arg6[%swap3A_47, %swap3A_48], %div3A_46 {strides = array<i32>} : memref<1x1xf32, #tpu.memory_space<vmem>>, vector<1x1xf32>,
    %swap3A_50 = arith.constant 0 : index
    %swap3A_51 = arith.constant 0 : index
    %swap3A_52 = vector.load %arg7[%swap3A_50, %swap3A_51] : memref<8192x1xf32, #tpu.memory_space<vmem>>, vector<8192x1xf32>
    tpu.vector_store %arg7[%swap3A_50, %swap3A_51], %mul3A_26 {strides = array<i32>} : memref<8192x1xf32, #tpu.memory_space<vmem>>, vector<8192x1xf32>,
    return
  }
}

</mosaic_0001>

<sc_bundles>
// kernel: kernel.5.cloned.1.call-start
scs
__scs_entry_jumppad:
0x0: {  	(pc) =	sbr.rel $0x88, $3  }
0x1: {  	(tag) =	ssettag $0x0;
	lr =	simm.s32 $0x1  }
0x2: {  	[smem:$0x3F9F] =	sst lr;
	_ =	strace $0xD0000000  }
0x3: {  	_ = 	snop  }
0x4: {  	_ = 	snop  }
0x5: {  	_ = 	snop  }
0x6: {  	_ = 	snop  }
0x7: {  	_ = 	snop  }
__scs_overlays_trampoline_lowered:
0x8: {  	[smem:$0x3FAE] =	sst s0  }
0x9: {  	[smem:$0x3FAF] =	sst s1  }
0xa: {  	[smem:$0x3FB0] =	sst s2  }
0xb: {  	[smem:$0x3FB1] =	sst s3  }
0xc: {  	[smem:$0x3FB2] =	sst s4  }
0xd: {  	[smem:$0x3FB3] =	sst s5  }
0xe: {  	[smem:$0x3FB4] =	sst s6  }
0xf: {  	[smem:$0x3FB5] =	sst s7  }
0x10: {  	[smem:$0x3FB6] =	sst s8  }
0x11: {  	[smem:$0x3FB7] =	sst s9;
	s0 =	simm.s32 @!p0 $0x0  }
0x12: {  	s1 =	sld [smem:$0x3F9D];
	s0 =	simm.s32 @p0 $0x1  }
0x13: {  	[smem:$0x3FB8] =	sst s0;
	s0 =	simm.s32 @!p1 $0x0  }
0x14: {  	s2 =	sld [smem:$0x3F9C];
	s0 =	simm.s32 @p1 $0x1  }
0x15: {  	[smem:$0x3FB9] =	sst s0;
	s0 =	simm.s32 @!p2 $0x0  }
0x16: {  	s3 =	sld [smem:$0x3FDB];
	s0 =	simm.s32 @p2 $0x1  }
0x17: {  	s4 =	simm.s32 $0x1BF5;
	[smem:$0x3FBB] =	sst s0  }
0x18: {  	s0 =	sld [smem:$0x3F9E];
	_ =	swait.ge [sflag:s4], $0x0  }
0x19: {  	s7 =	sld [smem:$0x3F9F]  }
0x1a: {  	s8 =	sadd.s32 $0xFFFFE003, lr  }
0x1b: {  	s9 =	sadd.s32 $0xFFFFFEF7, lr;
	s5 =	simm.s32 $0xFFFFFFFF;
	p2 =	slt.u32 s8, $0xFFFFF086  }
0x1c: {  	p1 =	slt.u32 s9, $0xF7A;
	s5 =	simm.s32 @!p2 $0x0  }
0x1d: {  	s5 =	simm.s32 @p1 $0x1;
	p0 =	seq.s32 s7, s2  }
0x1e: {  	s7 =	smul.u32 @!p0 $0xF7A, s2;
	p2 =	seq.s32 @!p0 s5, $0x0  }
0x1f: {  	s9 =	smul.u32 $0xF7A, s1;
	s8 =	simm.s32 @!p0 $0x1BF5;
	p2 =	por !p2, p0  }
0x20: {  	[sflag:s8] =	ssyncset.s32 @!p0 $0xFFFFF086;
	s6 =	sadd.s32 @!p0 s3, s7;
	s7 =	simm.s32 @!p0 $0x108  }
0x21: {  	s3 =	sadd.s32 s3, s9;
	s6 =	sadd.s32 @!p0 $0x88, s6;
	s7 =	simm.s32 @p2 $0x1082  }
0x22: {  	[simem:s7], [sflag:s8] =	dma.local @!p0 [hbm:s6], $0xF7A  }
0x23: {  	s9 =	sor.u32 $0xD0000000, s2;
	s6 =	simm.s32 $0x108;
	_ =	swait.ge @!p0 [sflag:s8], $0x0  }
0x24: {  	s3 =	sadd.s32 $0x88, s3;
	s6 =	simm.s32 @!p1 $0x1082;
	[sflag:s4] =	ssyncset.s32 $0xFFFFF086  }
0x25: {  	[simem:s6], [sflag:s4] =	dma.local [hbm:s3], $0xF7A  }
0x26: {  	[smem:$0x3F9F] =	sst s1;
	(tag) =	ssettag s2;
	_ =	strace s9  }
0x27: {  	s1 =	sld [smem:$0x3FAF]  }
0x28: {  	s2 =	sld [smem:$0x3FB0]  }
0x29: {  	s4 =	sld [smem:$0x3FB2]  }
0x2a: {  	p0 =	seq.s32 s5, $0x0;
	s5 =	sld [smem:$0x3FB3]  }
0x2b: {  	s6 =	sld [smem:$0x3FB4]  }
0x2c: {  	s7 =	sld [smem:$0x3FB5]  }
0x2d: {  	s3 =	simm.s32 $0x108;
	s8 =	sld [smem:$0x3FB6]  }
0x2e: {  	s3 =	simm.s32 @!p0 $0x1082;
	s9 =	sld [smem:$0x3FB7]  }
0x2f: {  	lr =	sadd.s32 s0, s3;
	s0 =	sld [smem:$0x3FAE]  }
0x30: {  	s3 =	sld [smem:$0x3FB1]  }
0x31: {  	[smem:$0x3FBA] =	sst s10  }
0x32: {  	s10 =	sld [smem:$0x3FB8];
	_ =	sdelay $0x3  }
0x33: {  	p0 =	seq.s32 s10, $0x1;
	s10 =	sld [smem:$0x3FBA];
	_ =	sdelay $0x3  }
0x34: {  	[smem:$0x3FBA] =	sst s10  }
0x35: {  	s10 =	sld [smem:$0x3FB9];
	_ =	sdelay $0x3  }
0x36: {  	p1 =	seq.s32 s10, $0x1;
	s10 =	sld [smem:$0x3FBA];
	_ =	sdelay $0x3  }
0x37: {  	[smem:$0x3FBA] =	sst s10  }
0x38: {  	s10 =	sld [smem:$0x3FBB]  }
0x39: {  	_ = 	snop;
	(pc) =	sbr.ind lr, $3  }
0x3a: {  	_ = 	snop  }
0x3b: {  	_ = 	snop  }
0x3c: {  	p2 =	seq.s32 s10, $0x1;
	s10 =	sld [smem:$0x3FBA]  }
0x3d: {  	_ =	shalt  }
0x3e: {  	_ =	shalt  }
0x3f: {  	_ =	shalt  }
0x40: {  	_ =	shalt  }
0x41: {  	_ =	shalt  }
0x42: {  	_ =	shalt  }
0x43: {  	_ =	shalt  }
0x44: {  	_ =	shalt  }
0x45: {  	_ =	shalt  }
0x46: {  	_ =	shalt  }
0x47: {  	_ =	shalt  }
0x48: {  	_ =	shalt  }
0x49: {  	_ =	shalt  }
0x4a: {  	_ =	shalt  }
0x4b: {  	_ =	shalt  }
0x4c: {  	_ =	shalt  }
0x4d: {  	_ =	shalt  }
0x4e: {  	_ =	shalt  }
0x4f: {  	_ =	shalt  }
0x50: {  	_ =	shalt  }
0x51: {  	_ =	shalt  }
0x52: {  	_ =	shalt  }
0x53: {  	_ =	shalt  }
0x54: {  	_ =	shalt  }
0x55: {  	_ =	shalt  }
0x56: {  	_ =	shalt  }
0x57: {  	_ =	shalt  }
0x58: {  	_ =	shalt  }
0x59: {  	_ =	shalt  }
0x5a: {  	_ =	shalt  }
0x5b: {  	_ =	shalt  }
0x5c: {  	_ =	shalt  }
0x5d: {  	_ =	shalt  }
0x5e: {  	_ =	shalt  }
0x5f: {  	_ =	shalt  }
0x60: {  	_ =	shalt  }
0x61: {  	_ =	shalt  }
0x62: {  	_ =	shalt  }
0x63: {  	_ =	shalt  }
0x64: {  	_ =	shalt  }
0x65: {  	_ =	shalt  }
0x66: {  	_ =	shalt  }
0x67: {  	_ =	shalt  }
0x68: {  	_ =	shalt  }
0x69: {  	_ =	shalt  }
0x6a: {  	_ =	shalt  }
0x6b: {  	_ =	shalt  }
0x6c: {  	_ =	shalt  }
0x6d: {  	_ =	shalt  }
0x6e: {  	_ =	shalt  }
0x6f: {  	_ =	shalt  }
0x70: {  	_ =	shalt  }
0x71: {  	_ =	shalt  }
0x72: {  	_ =	shalt  }
0x73: {  	_ =	shalt  }
0x74: {  	_ =	shalt  }
0x75: {  	_ =	shalt  }
0x76: {  	_ =	shalt  }
0x77: {  	_ =	shalt  }
0x78: {  	_ =	shalt  }
0x79: {  	_ =	shalt  }
0x7a: {  	_ =	shalt  }
0x7b: {  	_ =	shalt  }
0x7c: {  	_ =	shalt  }
0x7d: {  	_ =	shalt  }
0x7e: {  	_ =	shalt  }
0x7f: {  	_ =	shalt  }
0x80: {  	_ =	shalt  }
0x81: {  	_ =	shalt  }
0x82: {  	_ =	shalt  }
0x83: {  	_ =	shalt  }
0x84: {  	_ =	shalt  }
0x85: {  	_ =	shalt  }
0x86: {  	_ =	shalt  }
0x87: {  	_ =	shalt  }
.Lfunc_end0:
.L_simem_size_0:
called_computation_lowered:
.L_overlay_start_0:
0x88: {  	s2 =	sld [smem:$0x3FD9]  }
0x89: {  	s3 =	sld [smem:$0x3FFE];
	_ =	sdelay $0x1  }
0x8a: {  	s1 =	srdreg.scid  }
0x8b: {  	s0 =	sand.u32 $0x1, s1  }
0x8c: {  	s14 =	sshll.u32 s0, $0xA;
	s2 =	sadd.s32 s3, s2  }
0x8d: {  	s2 =	sadd.s32 s2, s14  }
0x8e: {  	[smem:$0x3FC6] =	sst s2  }
0x8f: {  	_ = 	snop  }
0x90: {  	s2 =	sld [smem:$0x3FD0];
	_ =	sdelay $0x2  }
0x91: {  	s15 =	simm.s32 $0xA;
	s4 =	simm.s32 $0x10  }
0x92: {  	[smem:s4], [sflag:s15] =	dma.local [hbm:s2], $0x1  }
0x93: {  	_ =	swait.eq [sflag:s15], $0x1  }
0x94: {  	[sflag:s15] =	ssyncset.done $0x0  }
0x95: {  	s16 =	sld [smem:$0x10];
	[sflag:s15] =	ssyncadd.s32 $0xFFFFFFFF  }
0x96: {  	s17 =	sld [smem:$0x15];
	(tm) =	ssettm $0x1  }
0x97: {  	s18 =	sld [smem:$0x3FFB];
	_ =	sdelay $0x3  }
0x98: {  	_ =	strace s18  }
0x99: {  	s4 =	sld [smem:$0x3FFC];
	_ =	sdelay $0x3  }
0x9a: {  	_ =	strace s4  }
0x9b: {  	s4 =	sld [smem:$0x3FFD];
	_ =	sdelay $0x3  }
0x9c: {  	_ =	strace s4  }
0x9d: {  	_ =	strace $0x8FFFFFFF  }
0x9e: {  	s19 =	sld [smem:$0x3FDB];
	_ =	sdelay $0x1  }
0x9f: {  	s5 =	simm.s32 $_scs_section_size  }
0xa0: {  	s6 =	simm.s32 $_size__tile_overlayer_lowered;
	s7 =	simm.s32 $_tile_overlayer_lowered  }
0xa1: {  	s22 =	simm.s32 $0x1BFF;
	s21 =	sshll.u32 s7, $0x1;
	s4 =	sadd.s32 s5, s19  }
0xa2: {  	s8 =	simm.s32 $0x0;
	s20 =	sshll.u32 s6, $0x1;
	s6 =	sadd.s32 s21, s4  }
0xa3: {  	[timem:s8], [sflag:s22] =	dma.local [hbm:s6], s20  }
0xa4: {  	_ =	swait.ge [sflag:s22], s20  }
0xa5: {  	s5 =	ssub.s32 $0x0, s20;
	[sflag:s22] =	ssyncset.done $0x0  }
0xa6: {  	[sflag:s22] =	ssyncadd.s32 s5;
	_ =	sdelay $0x1  }
0xa7: {  	s23 =	simm.s32 $0x1B8B  }
0xa8: {  	_ =	swait.ge [sflag:s23], $0x1  }
0xa9: {  	[sflag:s23] =	ssyncset.done $0x0  }
0xaa: {  	s25 =	simm.s32 $0x1B8E;
	s24 =	sld [smem:$0x3FFE];
	[sflag:s23] =	ssyncadd.s32 $0xFFFFFFFF  }
0xab: {  	s26 =	simm.s32 $execute0_lowered;
	[smem:$0x3FD2] =	sst s25  }
0xac: {  	s6 =	sshll.u32 s26, $0x1;
	_ =	strace $0x80000046;
	[dreg:$0x1] =	wrdreg $0xFFFFFFFF  }
0xad: {  	s28 =	simm.s32 $_size_execute0_lowered;
	s4 =	sadd.s32 s4, s6;
	[dreg:$0x0] =	wrdreg $0x0  }
0xae: {  	s6 =	sshll.u32 s28, $0x1;
	[dreg:$0x2] =	wrdreg s4  }
0xaf: {  	[dreg:$0x3] =	wrdreg s6  }
0xb0: {  	[dreg:$0x4] =	wrdreg $0xC0  }
0xb1: {  	_ =	task [dreg:s8], $0x5FFFF  }
0xb2: {  	[dreg:$0x1] =	wrdreg $0xFFFFFFFF  }
0xb3: {  	[dreg:$0x0] =	wrdreg $0x60  }
0xb4: {  	[dreg:$0x2] =	wrdreg s17  }
0xb5: {  	[dreg:$0x3] =	wrdreg s24  }
0xb6: {  	[dreg:$0x4] =	wrdreg s16  }
0xb7: {  	[dreg:$0x5] =	wrdreg $0xC1000  }
0xb8: {  	[dreg:$0x6] =	wrdreg $0x9  }
0xb9: {  	_ =	task.clear_ibuf [dreg:s8], $0x7FFFF;
	_ =	strace $0x90000046  }
0xba: {  	s29 =	simm.s32 $0x9;
	_ =	strace $0x80000048  }
0xbb: {  	_ =	swait.ge [sflag:s29], $0x1  }
0xbc: {  	[sflag:s29] =	ssyncadd.s32 $0xFFFFFFFF  }
0xbd: {  	_ =	strace $0x90000048  }
0xbe: {  	_ =	sfence  }
0xbf: {  	s30 =	sld [smem:$0x0];
	_ =	sdelay $0x2  }
0xc0: {  	s31 =	sshll.u32 s1, $0xD;
	s1 =	sshrl.u32 s1, $0x2  }
0xc1: {  	s3 =	sand.u32 $0x4000, s31;
	s1 =	sadd.s32 s1, s30  }
0xc2: {  	s0 =	sor.u32 s3, s0;
	s1 =	sshll.u32 s1, $0x11  }
0xc3: {  	s0 =	sor.u32 s1, s0  }
0xc4: {  	s0 =	sadd.s32 $0x8F2B, s0  }
0xc5: {  	[sflag:s0] =	ssyncadd.remote.s32 $0x1  }
0xc6: {  	_ =	sfence.sel $0xFFFF  }
0xc7: {  	[dreg:$0x0] =	wrdreg $0xFFFFFFFF;
	(pc) =	sbr.abs _section_cstart, $3  }
0xc8: {  	[dreg:$0x1] =	wrdreg $0xFFFFFFFF  }
0xc9: {  	_ =	task.clear_ibuf [dreg:s8], $0x2FFFF;
	_ =	strace $0x9FFFFFFF  }
0xca: {  	(tm) =	ssettm $0x7FFFFFFF  }
0xcb: {  	_ =	shalt  }
tec
execute0_lowered:
.L_overlay_start_1:
0x0: {  	(tag) =	ssettag $0x1  }
0x1: {  	s10 =	rddreg [dreg:$0x0]  }
0x2: {  	s1 =	rddreg [dreg:$0x1]  }
0x3: {  	s2 =	rddreg [dreg:$0x2]  }
0x4: {  	s4 =	rddreg [dreg:$0x3]  }
0x5: {  	s0 =	rddreg [dreg:$0x4];
	s5 =	simm.s32 $0x0;
	s6 =	srdreg.scid  }
0x6: {  	s3 =	stileid.u32;
	[smem:$0x7FF] =	sst s5  }
0x7: {  	s17 =	sand.u32 $0x1, s6;
	s29 =	sshll.u32 s3, $0xD;
	s11 =	sshll.u32 s3, $0x1  }
0x8: {  	s30 =	sshll.u32 s3, $0x10;
	s7 =	sshll.u32 s3, $0x6;
	_ =	strace $0x80000047  }
0x9: {  	s18 =	sadd.s32 s29, s1;
	s8 =	sadd.s32 s30, s4;
	s7 =	sor.u32 $0x1C02, s7  }
0xa: {  	s6 =	sadd.s32 $0x20000, s18;
	s9 =	sshrl.u32 s8, $0x3;
	s8 =	simm.s32 $0x2  }
0xb: {  	[spmem:s9], [sflag:s7] =	dma.local [hbm:s6], $0x2000  }
0xc: {  	s16 =	sor.u32 s17, s11;
	_ =	swait.ge [sflag:s8], $0x2000  }
0xd: {  	s11 =	sshll.u32 s16, $0x5;
	[sflag:s8] =	ssyncset.done $0x0  }
0xe: {  	s10 =	sadd.s32 s10, s11;
	[sflag:s8] =	ssyncadd.s32 $0xFFFFE000  }
0xf: {  	[tilespmem:s5], [sflag:$0x2] =	stream.linear.gather [hbm4b:s10+s5], $0x100, $0x38;
	[tilespmem:$0x1C100] =	vst v63  }
0x10: {  	_ =	swait.ge [sflag:s8], $0x100  }
0x11: {  	[sflag:s8] =	ssyncset.done $0x0  }
0x12: {  	s11 =	simm.s32 $0x8100;
	[sflag:s8] =	ssyncadd.s32 $0xFFFFFF00  }
0x13: {  	[tilespmem:s11], [sflag:$0x2] =	stream.linear.gather [hbm4b:s2+s5], $0x4000, $0x38;
	[tilespmem:$0x1C100] =	vst v63  }
0x14: {  	_ =	swait.ge [sflag:s8], $0x4000  }
0x15: {  	[sflag:s8] =	ssyncset.done $0x0  }
0x16: {  	s12 =	simm.s32 $0x80;
	[sflag:s8] =	ssyncadd.s32 $0xFFFFC000  }
0x17: {  	s13 =	simm.s32 $0x100;
	s14 =	simm.s32 $0x1;
	[bflag:$0x0] =	sbarrier.arrive $0xFFFF  }
0x18: {  	[tilespmem:s13], [sflag:$0x1] =	stream.indirect.gather [hbm4b:s1+s12], $0x80, s5, s12, $0xb8;
	[tilespmem:$0x1C100] =	vst v63  }
0x19: {  	_ =	swait.ge [sflag:s14], $0x4000  }
0x1a: {  	[sflag:s14] =	ssyncset.done $0x0  }
0x1b: {  	[sflag:s14] =	ssyncadd.s32 $0xFFFFC000  }
0x1c: {  	[spmem:s4] =	stream.indirect.scatter.add.f32 [tilespmem:s11], [sflag:$0x2], $0x80, s5, s12, $0xb8;
	[tilespmem:$0x1C100] =	vst v63  }
0x1d: {  	_ =	swait.ge [sflag:s8], $0x4000  }
0x1e: {  	[sflag:s8] =	ssyncset.done $0x0  }
0x1f: {  	s15 =	simm.s32 $0x4100;
	[sflag:s8] =	ssyncadd.s32 $0xFFFFC000  }
0x20: {  	[tilespmem:s15], [sflag:$0x1] =	stream.indirect.gather [hbm4b:s1+s12], $0x80, s12, s12, $0xb8;
	[tilespmem:$0x1C100] =	vst v63  }
0x21: {  	_ =	swait.ge [sflag:s14], $0x4000  }
0x22: {  	[sflag:s14] =	ssyncset.done $0x0  }
0x23: {  	[sflag:s14] =	ssyncadd.s32 $0xFFFFC000  }
0x24: {  	[spmem:s4] =	stream.indirect.scatter.add.f32 [tilespmem:s11], [sflag:$0x2], $0x80, s12, s12, $0xb8;
	[tilespmem:$0x1C100] =	vst v63  }
0x25: {  	s19 =	ssub.s32 $0x2, s17;
	s16 =	sshll.u32 s16, $0xC;
	_ =	swait.ge [sflag:s8], $0x4000  }
0x26: {  	s20 =	sshrl.u32 s19, $0x1;
	s16 =	sadd.s32 s16, s1;
	[sflag:s8] =	ssyncset.done $0x0  }
0x27: {  	s19 =	ssub.s32 s19, s20;
	s16 =	sadd.s32 $0x40000, s16;
	[sflag:s8] =	ssyncadd.s32 $0xFFFFC000  }
0x28: {  	[hbm4b:s16+s5] =	stream.linear.scatter [tilespmem:s13], [sflag:$0x2], $0x8000, $0x38;
	[tilespmem:$0x1C100] =	vst v63  }
0x29: {  	s31 =	smax.u32 s19, $0x1;
	_ =	swait.ge [sflag:s8], $0x8000  }
0x2a: {  	s17 =	sshll.u32 s17, $0x11;
	p0 =	sne.s32 s31, $0x1;
	[sflag:s8] =	ssyncset.done $0x0  }
.Ltmp0:
0x2b: {  	s17 =	sadd.s32 s17, s18;
	[sflag:s8] =	ssyncadd.s32 $0xFFFF8000;
	(pc) =	sbr.rel @!p0 .LBB2_2-.Ltmp0, $4  }
0x2c: {  	s17 =	sadd.s32 $0x60000, s17;
	[bflag:$0x0] =	sbarrier.arrive $0xFFFF  }
0x2d: {  	[hbm:s17], [sflag:s7] =	dma.local [spmem:s9], $0x2000  }
0x2e: {  	_ =	swait.ge [sflag:s8], $0x2000  }
0x2f: {  	s18 =	sadd.s32 $0xFFFFFFFF, s31;
	[sflag:s8] =	ssyncset.done $0x0  }
.LBB2_1:
0x30: {  	p0 =	sne.s32 s18, $0x1;
	s18 =	sadd.s32 $0xFFFFFFFF, s18;
	[sflag:s8] =	ssyncadd.s32 $0xFFFFE000  }
0x31: {  	[spmem:s9], [sflag:s7] =	dma.local [hbm:s6], $0x2000  }
0x32: {  	_ =	swait.ge [sflag:s8], $0x2000  }
0x33: {  	[sflag:s8] =	ssyncset.done $0x0  }
0x34: {  	[sflag:s8] =	ssyncadd.s32 $0xFFFFE000  }
0x35: {  	[tilespmem:s5], [sflag:$0x2] =	stream.linear.gather [hbm4b:s10+s5], $0x100, $0x38;
	[tilespmem:$0x1C100] =	vst v63  }
0x36: {  	_ =	swait.ge [sflag:s8], $0x100  }
0x37: {  	[sflag:s8] =	ssyncset.done $0x0  }
0x38: {  	[sflag:s8] =	ssyncadd.s32 $0xFFFFFF00  }
0x39: {  	[tilespmem:s11], [sflag:$0x2] =	stream.linear.gather [hbm4b:s2+s5], $0x4000, $0x38;
	[tilespmem:$0x1C100] =	vst v63  }
0x3a: {  	_ =	swait.ge [sflag:s8], $0x4000  }
0x3b: {  	[sflag:s8] =	ssyncset.done $0x0  }
0x3c: {  	[sflag:s8] =	ssyncadd.s32 $0xFFFFC000  }
0x3d: {  	[bflag:$0x0] =	sbarrier.arrive $0xFFFF  }
0x3e: {  	[tilespmem:s13], [sflag:$0x1] =	stream.indirect.gather [hbm4b:s1+s12], $0x80, s5, s12, $0xb8;
	[tilespmem:$0x1C100] =	vst v63  }
0x3f: {  	_ =	swait.ge [sflag:s14], $0x4000  }
0x40: {  	[sflag:s14] =	ssyncset.done $0x0  }
0x41: {  	[sflag:s14] =	ssyncadd.s32 $0xFFFFC000  }
0x42: {  	[spmem:s4] =	stream.indirect.scatter.add.f32 [tilespmem:s11], [sflag:$0x2], $0x80, s5, s12, $0xb8;
	[tilespmem:$0x1C100] =	vst v63  }
0x43: {  	_ =	swait.ge [sflag:s8], $0x4000  }
0x44: {  	[sflag:s8] =	ssyncset.done $0x0  }
0x45: {  	[sflag:s8] =	ssyncadd.s32 $0xFFFFC000  }
0x46: {  	[tilespmem:s15], [sflag:$0x1] =	stream.indirect.gather [hbm4b:s1+s12], $0x80, s12, s12, $0xb8;
	[tilespmem:$0x1C100] =	vst v63  }
0x47: {  	_ =	swait.ge [sflag:s14], $0x4000  }
0x48: {  	[sflag:s14] =	ssyncset.done $0x0  }
0x49: {  	[sflag:s14] =	ssyncadd.s32 $0xFFFFC000  }
0x4a: {  	[spmem:s4] =	stream.indirect.scatter.add.f32 [tilespmem:s11], [sflag:$0x2], $0x80, s12, s12, $0xb8;
	[tilespmem:$0x1C100] =	vst v63  }
0x4b: {  	_ =	swait.ge [sflag:s8], $0x4000  }
0x4c: {  	[sflag:s8] =	ssyncset.done $0x0  }
0x4d: {  	[sflag:s8] =	ssyncadd.s32 $0xFFFFC000  }
0x4e: {  	[hbm4b:s16+s5] =	stream.linear.scatter [tilespmem:s13], [sflag:$0x2], $0x8000, $0x38;
	[tilespmem:$0x1C100] =	vst v63  }
0x4f: {  	_ =	swait.ge [sflag:s8], $0x8000  }
0x50: {  	[sflag:s8] =	ssyncset.done $0x0  }
.Ltmp1:
0x51: {  	[sflag:s8] =	ssyncadd.s32 $0xFFFF8000;
	(pc) =	sbr.rel @p0 .LBB2_1-.Ltmp1, $4  }
0x52: {  	[bflag:$0x0] =	sbarrier.arrive $0xFFFF  }
0x53: {  	[hbm:s17], [sflag:s7] =	dma.local [spmem:s9], $0x2000  }
0x54: {  	_ =	swait.ge [sflag:s8], $0x2000  }
0x55: {  	[sflag:s8] =	ssyncset.done $0x0  }
.LBB2_2:
0x56: {  	[sflag:s8] =	ssyncadd.s32 $0xFFFFE000  }
0x57: {  	_ =	sfence.sel $0x180000  }
0x58: {  	[bflag:$0x0] =	sbarrier.arrive $0xFFFF  }
0x59: {  	p0 =	sne.s32 s3, $0x0;
	_ =	strace $0x90000047  }
0x5a: {  	s0 =	sadd.s32 @!p0 $0x100000, s0;
	[bflag:$0x2] =	sbarrier.arrive $0xFFFF  }
0x5b: {  	[sflag:s0] =	ssyncadd.tile.s32 @!p0 $0x1;
	_ =	shalt  }
.Lfunc_end2:
_tile_overlayer_lowered:
.L_overlay_start_2:
0x5c: {  	(tag) =	ssettag $0x2  }
0x5d: {  	s0 =	rddreg [dreg:$0x0];
	s2 =	stileid.u32  }
0x5e: {  	s1 =	rddreg [dreg:$0x1];
	p0 =	sne.s32 s2, $0x0  }
0x5f: {  	s3 =	rddreg [dreg:$0x2];
	[bflag:$0x3] =	sbarrier.arrive $0xFFFF;
	s2 =	simm.s32 @!p0 $0x1C02  }
0x60: {  	[timem:s3], [sflag:s2] =	dma.local @!p0 [hbm:s0], s1  }
0x61: {  	s0 =	simm.s32 @!p0 $0x2  }
0x62: {  	_ =	swait.ge @!p0 [sflag:s0], s1  }
0x63: {  	s1 =	ssub.s32 @!p0 $0x0, s1;
	[sflag:s0] =	ssyncset.done @!p0 $0x0  }
0x64: {  	[sflag:s0] =	ssyncadd.s32 @!p0 s1  }
0x65: {  	[bflag:$0x3] =	sbarrier.arrive $0xFFFF  }
0x66: {  	_ =	shalt  }

</sc_bundles>
